<compile_context>
chip_gen: v7x
topology: tpu7x:2x2x1
jax: 0.10.2.dev20260603
libtpu: 0.0.44.dev20260713+nightly
codegen_flags: <defaults>
</compile_context>

<pallas_src>
import math

import jax
import jax.numpy as jnp
from jax import lax
from jax.experimental import pallas as pl
from jax.experimental.pallas import tpu as pltpu
from jax.experimental.pallas import tpu_sc as plsc

_VOCAB = 1000
_D = 4096
_MAX_SEQ = 8192
_HALF_DIM = 64
_THETA = 10000.0

_NC = 2
_NS = 16
_NW = _NC * _NS
_N_TOK = 8192
_ROWS_PER_W = _N_TOK // _NW
_C = 4
_NCHUNK = _ROWS_PER_W // _C
_NBUF = 4


def _sc_gather_body(table_hbm, idx_hbm, out_hbm, idx_v,
                    buf0, buf1, buf2, buf3,
                    gsem0, gsem1, gsem2, gsem3,
                    osem0, osem1, osem2, osem3):
    wid = lax.axis_index("s") * _NC + lax.axis_index("c")
    base = wid * _ROWS_PER_W
    pltpu.sync_copy(idx_hbm.at[wid], idx_v)
    bufs = (buf0, buf1, buf2, buf3)
    gsems = (gsem0, gsem1, gsem2, gsem3)
    osems = (osem0, osem1, osem2, osem3)

    def g_copy(c, b):
        return pltpu.make_async_copy(
            table_hbm.at[idx_v.at[c]], bufs[b], gsems[b])

    def o_copy(c, b):
        return pltpu.make_async_copy(
            bufs[b], out_hbm.at[pl.ds(base + c * _C, _C)], osems[b])

    g_copy(0, 0).start()
    g_copy(1, 1).start()

    def step(t, carry):
        for k in range(_NBUF):
            c = _NBUF * t + k
            g_copy(c, k).wait()
            o_copy(c, k).start()
            n = c + 2
            bn = (k + 2) % _NBUF

            @pl.when(n < _NCHUNK)
            def _():
                @pl.when(n >= _NBUF)
                def _():
                    o_copy(n - _NBUF, bn).wait()
                g_copy(n, bn).start()
        return carry

    lax.fori_loop(0, _NCHUNK // _NBUF, step, 0)
    for b in range(_NBUF):
        o_copy(_NCHUNK - _NBUF + b, b).wait()


_sc_gather = pl.kernel(
    _sc_gather_body,
    out_type=jax.ShapeDtypeStruct((_N_TOK, _D), jnp.float32),
    mesh=plsc.VectorSubcoreMesh(core_axis_name="c", subcore_axis_name="s"),
    scratch_types=(
        [pltpu.VMEM((_NCHUNK, _C), jnp.int32)]
        + [pltpu.VMEM((_C, _D), jnp.float32)] * _NBUF
        + [pltpu.SemaphoreType.DMA] * (2 * _NBUF)
    ),
)


def _rope_body(cos_ref, sin_ref, pos_ref):
    i = pl.program_id(0)
    blk = cos_ref.shape[0]
    lane = jax.lax.broadcasted_iota(jnp.int32, (blk, 128), 1)
    row = i * blk + jax.lax.broadcasted_iota(jnp.int32, (blk, 128), 0)
    t = (2 * row + (lane >= _HALF_DIM).astype(jnp.int32)).astype(jnp.float32)
    j = (lane & (_HALF_DIM - 1)).astype(jnp.float32)
    inv_freq = jnp.exp(j * (-2.0 * math.log(_THETA) / 128.0))
    freqs = t * inv_freq
    cos_ref[...] = jnp.cos(freqs)
    sin_ref[...] = jnp.sin(freqs)

    @pl.when(i == 0)
    def _():
        pos_ref[...] = jax.lax.broadcasted_iota(
            jnp.int32, pos_ref.shape, 1)


_ROPE_BLK = 512
_ROPE_GRID = (_MAX_SEQ // 2) // _ROPE_BLK


@jax.jit
def kernel(input_ids, token_embeddings):
    b, s = input_ids.shape
    chunked_ids = input_ids.reshape(_NW, _NCHUNK, _C)

    emb = _sc_gather(token_embeddings, chunked_ids)

    cos_d, sin_d, position_ids = pl.pallas_call(
        _rope_body,
        grid=(_ROPE_GRID,),
        out_specs=[
            pl.BlockSpec((_ROPE_BLK, 128), lambda i: (i, 0)),
            pl.BlockSpec((_ROPE_BLK, 128), lambda i: (i, 0)),
            pl.BlockSpec((b, s), lambda i: (0, 0)),
        ],
        out_shape=[
            jax.ShapeDtypeStruct((_MAX_SEQ // 2, 128), jnp.float32),
            jax.ShapeDtypeStruct((_MAX_SEQ // 2, 128), jnp.float32),
            jax.ShapeDtypeStruct((b, s), jnp.int32),
        ],
    )()

    return (emb.reshape(b, s, _D), position_ids,
            cos_d.reshape(_MAX_SEQ, _HALF_DIM),
            sin_d.reshape(_MAX_SEQ, _HALF_DIM))

# --- scband reference (transcript-rebuilt; emitter-appended) ---
"""Pipeline reference for scband-gryphon-embeddings-41669772705988 (READ-ONLY COPY).

The authoritative reference and input builder live on the scoring server;
editing this copy changes nothing except your own understanding.
"""

import jax, jax.numpy as jnp
import numpy as np

VOCAB = 1000
D_MODEL = 4096
N_HEADS = 32
MAX_SEQ = 8192
ROPE_THETA = 10000.0
B = 4
S = 2048
INIT_RANGE = 0.02


def precompute_rope_freqs(dim, max_seq_len, base):
    inv_freq = 1.0 / (base ** (jnp.arange(0, dim, 2, dtype=jnp.float32) / dim))
    t = jnp.arange(max_seq_len, dtype=jnp.float32)
    freqs = jnp.outer(t, inv_freq)
    return jnp.cos(freqs), jnp.sin(freqs)


def setup_inputs(seed: int = 0) -> dict:
    key = jax.random.key(seed)
    k1, k2 = jax.random.split(key)
    input_ids = jax.random.randint(k1, (B, S), 0, VOCAB, dtype=jnp.int32)
    token_embeddings = jax.random.normal(k2, (VOCAB, D_MODEL), dtype=jnp.float32) * INIT_RANGE
    return {"input_ids": input_ids, "token_embeddings": token_embeddings}


def reference(input_ids, token_embeddings):
    batch_size, seq_len = input_ids.shape
    # position ids default path (position_ids=None)
    position_ids = jnp.arange(seq_len)[None, :].repeat(batch_size, axis=0)
    # token embedding gather
    embeddings = jnp.take(token_embeddings, input_ids, axis=0)
    # dropout rate is 0.0 (resid_dropout=0.0) -> identity, faithful to config
    head_dim = D_MODEL // N_HEADS
    cos_freqs, sin_freqs = precompute_rope_freqs(head_dim, MAX_SEQ, ROPE_THETA)
    return (embeddings, position_ids, cos_freqs, sin_freqs)

if __name__ == "__main__":
    import jax
    _d = setup_inputs()
    print(jax.jit(kernel)(*tuple(_d.values())))

</pallas_src>

<mosaic_0001>
#map = affine_map<(d0, d1) -> (0, 0)>
#map1 = affine_map<(d0, d1) -> (0, 0, 0)>
module attributes {stable_mosaic.version = 14 : i64} {
  func.func @_sc_gather_body(%arg0: i32, %arg1: i32, %arg2: memref<1000x4096xf32, #tpu.memory_space<hbm>>, %arg3: memref<32x64x4xi32, #tpu.memory_space<hbm>>, %arg4: memref<8192x4096xf32, #tpu.memory_space<hbm>>, %arg5: memref<64x4xi32, #tpu.memory_space<vmem>>, %arg6: memref<4x4096xf32, #tpu.memory_space<vmem>>, %arg7: memref<4x4096xf32, #tpu.memory_space<vmem>>, %arg8: memref<4x4096xf32, #tpu.memory_space<vmem>>, %arg9: memref<4x4096xf32, #tpu.memory_space<vmem>>, %arg10: memref<!tpu.dma_semaphore, #tpu.memory_space<semaphore_mem>>, %arg11: memref<!tpu.dma_semaphore, #tpu.memory_space<semaphore_mem>>, %arg12: memref<!tpu.dma_semaphore, #tpu.memory_space<semaphore_mem>>, %arg13: memref<!tpu.dma_semaphore, #tpu.memory_space<semaphore_mem>>, %arg14: memref<!tpu.dma_semaphore, #tpu.memory_space<semaphore_mem>>, %arg15: memref<!tpu.dma_semaphore, #tpu.memory_space<semaphore_mem>>, %arg16: memref<!tpu.dma_semaphore, #tpu.memory_space<semaphore_mem>>, %arg17: memref<!tpu.dma_semaphore, #tpu.memory_space<semaphore_mem>>) attributes {dimension_semantics = [#tpu.dimension_semantics<core_parallel>, #tpu.dimension_semantics<subcore_parallel>], iteration_bounds = array<i64: 2, 16>, scalar_prefetch = 0 : i64, scratch_operands = 13 : i64, tpu.core_type = #tpu.core_type<sc_vector_subcore>, window_params = [{transform_indices = #map}, {transform_indices = #map1}, {transform_indices = #map}]} {
    %mul3A = arith.constant 2 : i32
    %mul3A_0 = arith.muli %arg1, %mul3A : i32
    %add3A = arith.addi %mul3A_0, %arg0 : i32
    %mul3A_1 = arith.constant 256 : i32
    %mul3A_2 = arith.muli %add3A, %mul3A_1 : i32
    "tpu.region"() ({
      %run_scoped3A = tpu.sem_alloc : memref<!tpu.dma_semaphore, #tpu.memory_space<semaphore_mem>>
      %dma_start3A_44 = arith.constant 0 : i32
      %dma_start3A_45 = arith.constant 0 : i32
      %dma_start3A_46 = tpu.memref_slice %arg3[%add3A, %dma_start3A_44, %dma_start3A_45] : memref<32x64x4xi32, #tpu.memory_space<hbm>> -> memref<1x64x4xi32, #tpu.memory_space<hbm>>
      %dma_start3A_47 = tpu.memref_squeeze %dma_start3A_46 : memref<1x64x4xi32, #tpu.memory_space<hbm>> -> memref<64x4xi32, #tpu.memory_space<hbm>>
      %dma_start3A_48 = arith.constant 0 : i32
      %dma_start3A_49 = arith.constant 0 : i32
      %dma_start3A_50 = tpu.memref_slice %arg3[%add3A, %dma_start3A_48, %dma_start3A_49] : memref<32x64x4xi32, #tpu.memory_space<hbm>> -> memref<1x64x4xi32, #tpu.memory_space<hbm>>
      %dma_start3A_51 = tpu.memref_squeeze %dma_start3A_50 : memref<1x64x4xi32, #tpu.memory_space<hbm>> -> memref<64x4xi32, #tpu.memory_space<hbm>>
      tpu.enqueue_dma source(%dma_start3A_51 : memref<64x4xi32, #tpu.memory_space<hbm>>) target(%arg5 : memref<64x4xi32, #tpu.memory_space<vmem>>) target_semaphore(%run_scoped3A : memref<!tpu.dma_semaphore, #tpu.memory_space<semaphore_mem>>)
      %dma_wait3A_52 = arith.constant 0 : i32
      %dma_wait3A_53 = arith.constant 0 : i32
      %dma_wait3A_54 = tpu.memref_slice %arg3[%add3A, %dma_wait3A_52, %dma_wait3A_53] : memref<32x64x4xi32, #tpu.memory_space<hbm>> -> memref<1x64x4xi32, #tpu.memory_space<hbm>>
      %dma_wait3A_55 = tpu.memref_squeeze %dma_wait3A_54 : memref<1x64x4xi32, #tpu.memory_space<hbm>> -> memref<64x4xi32, #tpu.memory_space<hbm>>
      %dma_wait3A_56 = arith.constant 0 : i32
      %dma_wait3A_57 = arith.constant 0 : i32
      %dma_wait3A_58 = tpu.memref_slice %arg3[%add3A, %dma_wait3A_56, %dma_wait3A_57] : memref<32x64x4xi32, #tpu.memory_space<hbm>> -> memref<1x64x4xi32, #tpu.memory_space<hbm>>
      %dma_wait3A_59 = tpu.memref_squeeze %dma_wait3A_58 : memref<1x64x4xi32, #tpu.memory_space<hbm>> -> memref<64x4xi32, #tpu.memory_space<hbm>>
      tpu.wait_dma2 semaphore(%run_scoped3A : memref<!tpu.dma_semaphore, #tpu.memory_space<semaphore_mem>>) src(%dma_wait3A_59 : memref<64x4xi32, #tpu.memory_space<hbm>>) dst(%arg5 : memref<64x4xi32, #tpu.memory_space<vmem>>)
      tpu.yield
    }) : () -> ()
    %dma_start3A = arith.constant 0 : i32
    %dma_start3A_3 = arith.constant 0 : i32
    %dma_start3A_4 = tpu.memref_slice %arg5[%dma_start3A, %dma_start3A_3] : memref<64x4xi32, #tpu.memory_space<vmem>> -> memref<1x4xi32, #tpu.memory_space<vmem>>
    %dma_start3A_5 = tpu.memref_squeeze %dma_start3A_4 : memref<1x4xi32, #tpu.memory_space<vmem>> -> memref<4xi32, #tpu.memory_space<vmem>>
    %dma_start3A_6 = arith.constant 0 : i32
    %dma_start3A_7 = arith.constant 0 : i32
    %dma_start3A_8 = tpu.memref_slice %arg2[%dma_start3A_6, %dma_start3A_7] : memref<1000x4096xf32, #tpu.memory_space<hbm>> -> memref<1000x4096xf32, #tpu.memory_space<hbm>>
    tpu.enqueue_indirect_dma source(%dma_start3A_8 : memref<1000x4096xf32, #tpu.memory_space<hbm>>) target(%arg6 : memref<4x4096xf32, #tpu.memory_space<vmem>>) offsets(%dma_start3A_5 : memref<4xi32, #tpu.memory_space<vmem>>) semaphore(%arg10 : memref<!tpu.dma_semaphore, #tpu.memory_space<semaphore_mem>>)
    %dma_start3A_9 = arith.constant 1 : i32
    %dma_start3A_10 = arith.constant 0 : i32
    %dma_start3A_11 = tpu.memref_slice %arg5[%dma_start3A_9, %dma_start3A_10] : memref<64x4xi32, #tpu.memory_space<vmem>> -> memref<1x4xi32, #tpu.memory_space<vmem>>
    %dma_start3A_12 = tpu.memref_squeeze %dma_start3A_11 : memref<1x4xi32, #tpu.memory_space<vmem>> -> memref<4xi32, #tpu.memory_space<vmem>>
    %dma_start3A_13 = arith.constant 0 : i32
    %dma_start3A_14 = arith.constant 0 : i32
    %dma_start3A_15 = tpu.memref_slice %arg2[%dma_start3A_13, %dma_start3A_14] : memref<1000x4096xf32, #tpu.memory_space<hbm>> -> memref<1000x4096xf32, #tpu.memory_space<hbm>>
    tpu.enqueue_indirect_dma source(%dma_start3A_15 : memref<1000x4096xf32, #tpu.memory_space<hbm>>) target(%arg7 : memref<4x4096xf32, #tpu.memory_space<vmem>>) offsets(%dma_start3A_12 : memref<4xi32, #tpu.memory_space<vmem>>) semaphore(%arg11 : memref<!tpu.dma_semaphore, #tpu.memory_space<semaphore_mem>>)
    %scan3A = arith.constant 0 : i32
    %scan3A_16 = arith.constant 0 : i32
    %scan3A_17 = arith.constant 16 : i32
    %scan3A_18 = arith.addi %scan3A_16, %scan3A_17 : i32
    %scan3A_19 = arith.constant 1 : i32
    scf.for %scan3A_44 = %scan3A_16 to %scan3A_18 step %scan3A_19  : i32 {
      %mul3A_45 = arith.constant 4 : i32
      %mul3A_46 = arith.muli %mul3A_45, %scan3A_44 : i32
      %add3A_47 = arith.constant 0 : i32
      %add3A_48 = arith.addi %mul3A_46, %add3A_47 : i32
      %dma_wait3A_49 = arith.constant 0 : i32
      %dma_wait3A_50 = tpu.memref_slice %arg5[%add3A_48, %dma_wait3A_49] : memref<64x4xi32, #tpu.memory_space<vmem>> -> memref<1x4xi32, #tpu.memory_space<vmem>>
      %dma_wait3A_51 = tpu.memref_squeeze %dma_wait3A_50 : memref<1x4xi32, #tpu.memory_space<vmem>> -> memref<4xi32, #tpu.memory_space<vmem>>
      %dma_wait3A_52 = arith.constant 0 : i32
      %dma_wait3A_53 = arith.constant 0 : i32
      %dma_wait3A_54 = tpu.memref_slice %arg2[%dma_wait3A_52, %dma_wait3A_53] : memref<1000x4096xf32, #tpu.memory_space<hbm>> -> memref<1000x4096xf32, #tpu.memory_space<hbm>>
      tpu.wait_indirect_dma semaphore(%arg10 : memref<!tpu.dma_semaphore, #tpu.memory_space<semaphore_mem>>) src(%dma_wait3A_54 : memref<1000x4096xf32, #tpu.memory_space<hbm>>) dst(%arg6 : memref<4x4096xf32, #tpu.memory_space<vmem>>)
      %mul3A_55 = arith.constant 4 : i32
      %mul3A_56 = arith.muli %add3A_48, %mul3A_55 : i32
      %add3A_57 = arith.addi %mul3A_2, %mul3A_56 : i32
      %dma_start3A_58 = arith.constant 0 : i32
      %dma_start3A_59 = tpu.memref_slice %arg4[%add3A_57, %dma_start3A_58] : memref<8192x4096xf32, #tpu.memory_space<hbm>> -> memref<4x4096xf32, #tpu.memory_space<hbm>>
      %dma_start3A_60 = arith.constant 0 : i32
      %dma_start3A_61 = tpu.memref_slice %arg4[%add3A_57, %dma_start3A_60] : memref<8192x4096xf32, #tpu.memory_space<hbm>> -> memref<4x4096xf32, #tpu.memory_space<hbm>>
      tpu.enqueue_dma source(%arg6 : memref<4x4096xf32, #tpu.memory_space<vmem>>) target(%dma_start3A_61 : memref<4x4096xf32, #tpu.memory_space<hbm>>) target_semaphore(%arg14 : memref<!tpu.dma_semaphore, #tpu.memory_space<semaphore_mem>>)
      %add3A_62 = arith.constant 2 : i32
      %add3A_63 = arith.addi %add3A_48, %add3A_62 : i32
      %lt3A = arith.constant 64 : i32
      %lt3A_64 = arith.cmpi slt, %add3A_63, %lt3A : i32
      %convert_element_type3A = arith.extui %lt3A_64 : i1 to i32
      %cond3A = arith.constant 0 : i32
      %cond3A_65 = arith.cmpi ne, %convert_element_type3A, %cond3A : i32
      scf.if %cond3A_65 {
        %ge3A = arith.constant 4 : i32
        %ge3A_138 = arith.cmpi sge, %add3A_63, %ge3A : i32
        %convert_element_type3A_139 = arith.extui %ge3A_138 : i1 to i32
        %cond3A_140 = arith.constant 0 : i32
        %cond3A_141 = arith.cmpi ne, %convert_element_type3A_139, %cond3A_140 : i32
        scf.if %cond3A_141 {
          %sub3A = arith.constant 4 : i32
          %sub3A_148 = arith.subi %add3A_63, %sub3A : i32
          %mul3A_149 = arith.constant 4 : i32
          %mul3A_150 = arith.muli %sub3A_148, %mul3A_149 : i32
          %add3A_151 = arith.addi %mul3A_2, %mul3A_150 : i32
          %dma_wait3A_152 = arith.constant 0 : i32
          %dma_wait3A_153 = tpu.memref_slice %arg4[%add3A_151, %dma_wait3A_152] : memref<8192x4096xf32, #tpu.memory_space<hbm>> -> memref<4x4096xf32, #tpu.memory_space<hbm>>
          %dma_wait3A_154 = arith.constant 0 : i32
          %dma_wait3A_155 = tpu.memref_slice %arg4[%add3A_151, %dma_wait3A_154] : memref<8192x4096xf32, #tpu.memory_space<hbm>> -> memref<4x4096xf32, #tpu.memory_space<hbm>>
          tpu.wait_dma2 semaphore(%arg16 : memref<!tpu.dma_semaphore, #tpu.memory_space<semaphore_mem>>) src(%arg8 : memref<4x4096xf32, #tpu.memory_space<vmem>>) dst(%dma_wait3A_155 : memref<4x4096xf32, #tpu.memory_space<hbm>>)
        } else {
        }
        %dma_start3A_142 = arith.constant 0 : i32
        %dma_start3A_143 = tpu.memref_slice %arg5[%add3A_63, %dma_start3A_142] : memref<64x4xi32, #tpu.memory_space<vmem>> -> memref<1x4xi32, #tpu.memory_space<vmem>>
        %dma_start3A_144 = tpu.memref_squeeze %dma_start3A_143 : memref<1x4xi32, #tpu.memory_space<vmem>> -> memref<4xi32, #tpu.memory_space<vmem>>
        %dma_start3A_145 = arith.constant 0 : i32
        %dma_start3A_146 = arith.constant 0 : i32
        %dma_start3A_147 = tpu.memref_slice %arg2[%dma_start3A_145, %dma_start3A_146] : memref<1000x4096xf32, #tpu.memory_space<hbm>> -> memref<1000x4096xf32, #tpu.memory_space<hbm>>
        tpu.enqueue_indirect_dma source(%dma_start3A_147 : memref<1000x4096xf32, #tpu.memory_space<hbm>>) target(%arg8 : memref<4x4096xf32, #tpu.memory_space<vmem>>) offsets(%dma_start3A_144 : memref<4xi32, #tpu.memory_space<vmem>>) semaphore(%arg12 : memref<!tpu.dma_semaphore, #tpu.memory_space<semaphore_mem>>)
      } else {
      }
      %mul3A_66 = arith.constant 4 : i32
      %mul3A_67 = arith.muli %mul3A_66, %scan3A_44 : i32
      %add3A_68 = arith.constant 1 : i32
      %add3A_69 = arith.addi %mul3A_67, %add3A_68 : i32
      %dma_wait3A_70 = arith.constant 0 : i32
      %dma_wait3A_71 = tpu.memref_slice %arg5[%add3A_69, %dma_wait3A_70] : memref<64x4xi32, #tpu.memory_space<vmem>> -> memref<1x4xi32, #tpu.memory_space<vmem>>
      %dma_wait3A_72 = tpu.memref_squeeze %dma_wait3A_71 : memref<1x4xi32, #tpu.memory_space<vmem>> -> memref<4xi32, #tpu.memory_space<vmem>>
      %dma_wait3A_73 = arith.constant 0 : i32
      %dma_wait3A_74 = arith.constant 0 : i32
      %dma_wait3A_75 = tpu.memref_slice %arg2[%dma_wait3A_73, %dma_wait3A_74] : memref<1000x4096xf32, #tpu.memory_space<hbm>> -> memref<1000x4096xf32, #tpu.memory_space<hbm>>
      tpu.wait_indirect_dma semaphore(%arg11 : memref<!tpu.dma_semaphore, #tpu.memory_space<semaphore_mem>>) src(%dma_wait3A_75 : memref<1000x4096xf32, #tpu.memory_space<hbm>>) dst(%arg7 : memref<4x4096xf32, #tpu.memory_space<vmem>>)
      %mul3A_76 = arith.constant 4 : i32
      %mul3A_77 = arith.muli %add3A_69, %mul3A_76 : i32
      %add3A_78 = arith.addi %mul3A_2, %mul3A_77 : i32
      %dma_start3A_79 = arith.constant 0 : i32
      %dma_start3A_80 = tpu.memref_slice %arg4[%add3A_78, %dma_start3A_79] : memref<8192x4096xf32, #tpu.memory_space<hbm>> -> memref<4x4096xf32, #tpu.memory_space<hbm>>
      %dma_start3A_81 = arith.constant 0 : i32
      %dma_start3A_82 = tpu.memref_slice %arg4[%add3A_78, %dma_start3A_81] : memref<8192x4096xf32, #tpu.memory_space<hbm>> -> memref<4x4096xf32, #tpu.memory_space<hbm>>
      tpu.enqueue_dma source(%arg7 : memref<4x4096xf32, #tpu.memory_space<vmem>>) target(%dma_start3A_82 : memref<4x4096xf32, #tpu.memory_space<hbm>>) target_semaphore(%arg15 : memref<!tpu.dma_semaphore, #tpu.memory_space<semaphore_mem>>)
      %add3A_83 = arith.constant 2 : i32
      %add3A_84 = arith.addi %add3A_69, %add3A_83 : i32
      %lt3A_85 = arith.constant 64 : i32
      %lt3A_86 = arith.cmpi slt, %add3A_84, %lt3A_85 : i32
      %convert_element_type3A_87 = arith.extui %lt3A_86 : i1 to i32
      %cond3A_88 = arith.constant 0 : i32
      %cond3A_89 = arith.cmpi ne, %convert_element_type3A_87, %cond3A_88 : i32
      scf.if %cond3A_89 {
        %ge3A = arith.constant 4 : i32
        %ge3A_138 = arith.cmpi sge, %add3A_84, %ge3A : i32
        %convert_element_type3A_139 = arith.extui %ge3A_138 : i1 to i32
        %cond3A_140 = arith.constant 0 : i32
        %cond3A_141 = arith.cmpi ne, %convert_element_type3A_139, %cond3A_140 : i32
        scf.if %cond3A_141 {
          %sub3A = arith.constant 4 : i32
          %sub3A_148 = arith.subi %add3A_84, %sub3A : i32
          %mul3A_149 = arith.constant 4 : i32
          %mul3A_150 = arith.muli %sub3A_148, %mul3A_149 : i32
          %add3A_151 = arith.addi %mul3A_2, %mul3A_150 : i32
          %dma_wait3A_152 = arith.constant 0 : i32
          %dma_wait3A_153 = tpu.memref_slice %arg4[%add3A_151, %dma_wait3A_152] : memref<8192x4096xf32, #tpu.memory_space<hbm>> -> memref<4x4096xf32, #tpu.memory_space<hbm>>
          %dma_wait3A_154 = arith.constant 0 : i32
          %dma_wait3A_155 = tpu.memref_slice %arg4[%add3A_151, %dma_wait3A_154] : memref<8192x4096xf32, #tpu.memory_space<hbm>> -> memref<4x4096xf32, #tpu.memory_space<hbm>>
          tpu.wait_dma2 semaphore(%arg17 : memref<!tpu.dma_semaphore, #tpu.memory_space<semaphore_mem>>) src(%arg9 : memref<4x4096xf32, #tpu.memory_space<vmem>>) dst(%dma_wait3A_155 : memref<4x4096xf32, #tpu.memory_space<hbm>>)
        } else {
        }
        %dma_start3A_142 = arith.constant 0 : i32
        %dma_start3A_143 = tpu.memref_slice %arg5[%add3A_84, %dma_start3A_142] : memref<64x4xi32, #tpu.memory_space<vmem>> -> memref<1x4xi32, #tpu.memory_space<vmem>>
        %dma_start3A_144 = tpu.memref_squeeze %dma_start3A_143 : memref<1x4xi32, #tpu.memory_space<vmem>> -> memref<4xi32, #tpu.memory_space<vmem>>
        %dma_start3A_145 = arith.constant 0 : i32
        %dma_start3A_146 = arith.constant 0 : i32
        %dma_start3A_147 = tpu.memref_slice %arg2[%dma_start3A_145, %dma_start3A_146] : memref<1000x4096xf32, #tpu.memory_space<hbm>> -> memref<1000x4096xf32, #tpu.memory_space<hbm>>
        tpu.enqueue_indirect_dma source(%dma_start3A_147 : memref<1000x4096xf32, #tpu.memory_space<hbm>>) target(%arg9 : memref<4x4096xf32, #tpu.memory_space<vmem>>) offsets(%dma_start3A_144 : memref<4xi32, #tpu.memory_space<vmem>>) semaphore(%arg13 : memref<!tpu.dma_semaphore, #tpu.memory_space<semaphore_mem>>)
      } else {
      }
      %mul3A_90 = arith.constant 4 : i32
      %mul3A_91 = arith.muli %mul3A_90, %scan3A_44 : i32
      %add3A_92 = arith.constant 2 : i32
      %add3A_93 = arith.addi %mul3A_91, %add3A_92 : i32
      %dma_wait3A_94 = arith.constant 0 : i32
      %dma_wait3A_95 = tpu.memref_slice %arg5[%add3A_93, %dma_wait3A_94] : memref<64x4xi32, #tpu.memory_space<vmem>> -> memref<1x4xi32, #tpu.memory_space<vmem>>
      %dma_wait3A_96 = tpu.memref_squeeze %dma_wait3A_95 : memref<1x4xi32, #tpu.memory_space<vmem>> -> memref<4xi32, #tpu.memory_space<vmem>>
      %dma_wait3A_97 = arith.constant 0 : i32
      %dma_wait3A_98 = arith.constant 0 : i32
      %dma_wait3A_99 = tpu.memref_slice %arg2[%dma_wait3A_97, %dma_wait3A_98] : memref<1000x4096xf32, #tpu.memory_space<hbm>> -> memref<1000x4096xf32, #tpu.memory_space<hbm>>
      tpu.wait_indirect_dma semaphore(%arg12 : memref<!tpu.dma_semaphore, #tpu.memory_space<semaphore_mem>>) src(%dma_wait3A_99 : memref<1000x4096xf32, #tpu.memory_space<hbm>>) dst(%arg8 : memref<4x4096xf32, #tpu.memory_space<vmem>>)
      %mul3A_100 = arith.constant 4 : i32
      %mul3A_101 = arith.muli %add3A_93, %mul3A_100 : i32
      %add3A_102 = arith.addi %mul3A_2, %mul3A_101 : i32
      %dma_start3A_103 = arith.constant 0 : i32
      %dma_start3A_104 = tpu.memref_slice %arg4[%add3A_102, %dma_start3A_103] : memref<8192x4096xf32, #tpu.memory_space<hbm>> -> memref<4x4096xf32, #tpu.memory_space<hbm>>
      %dma_start3A_105 = arith.constant 0 : i32
      %dma_start3A_106 = tpu.memref_slice %arg4[%add3A_102, %dma_start3A_105] : memref<8192x4096xf32, #tpu.memory_space<hbm>> -> memref<4x4096xf32, #tpu.memory_space<hbm>>
      tpu.enqueue_dma source(%arg8 : memref<4x4096xf32, #tpu.memory_space<vmem>>) target(%dma_start3A_106 : memref<4x4096xf32, #tpu.memory_space<hbm>>) target_semaphore(%arg16 : memref<!tpu.dma_semaphore, #tpu.memory_space<semaphore_mem>>)
      %add3A_107 = arith.constant 2 : i32
      %add3A_108 = arith.addi %add3A_93, %add3A_107 : i32
      %lt3A_109 = arith.constant 64 : i32
      %lt3A_110 = arith.cmpi slt, %add3A_108, %lt3A_109 : i32
      %convert_element_type3A_111 = arith.extui %lt3A_110 : i1 to i32
      %cond3A_112 = arith.constant 0 : i32
      %cond3A_113 = arith.cmpi ne, %convert_element_type3A_111, %cond3A_112 : i32
      scf.if %cond3A_113 {
        %ge3A = arith.constant 4 : i32
        %ge3A_138 = arith.cmpi sge, %add3A_108, %ge3A : i32
        %convert_element_type3A_139 = arith.extui %ge3A_138 : i1 to i32
        %cond3A_140 = arith.constant 0 : i32
        %cond3A_141 = arith.cmpi ne, %convert_element_type3A_139, %cond3A_140 : i32
        scf.if %cond3A_141 {
          %sub3A = arith.constant 4 : i32
          %sub3A_148 = arith.subi %add3A_108, %sub3A : i32
          %mul3A_149 = arith.constant 4 : i32
          %mul3A_150 = arith.muli %sub3A_148, %mul3A_149 : i32
          %add3A_151 = arith.addi %mul3A_2, %mul3A_150 : i32
          %dma_wait3A_152 = arith.constant 0 : i32
          %dma_wait3A_153 = tpu.memref_slice %arg4[%add3A_151, %dma_wait3A_152] : memref<8192x4096xf32, #tpu.memory_space<hbm>> -> memref<4x4096xf32, #tpu.memory_space<hbm>>
          %dma_wait3A_154 = arith.constant 0 : i32
          %dma_wait3A_155 = tpu.memref_slice %arg4[%add3A_151, %dma_wait3A_154] : memref<8192x4096xf32, #tpu.memory_space<hbm>> -> memref<4x4096xf32, #tpu.memory_space<hbm>>
          tpu.wait_dma2 semaphore(%arg14 : memref<!tpu.dma_semaphore, #tpu.memory_space<semaphore_mem>>) src(%arg6 : memref<4x4096xf32, #tpu.memory_space<vmem>>) dst(%dma_wait3A_155 : memref<4x4096xf32, #tpu.memory_space<hbm>>)
        } else {
        }
        %dma_start3A_142 = arith.constant 0 : i32
        %dma_start3A_143 = tpu.memref_slice %arg5[%add3A_108, %dma_start3A_142] : memref<64x4xi32, #tpu.memory_space<vmem>> -> memref<1x4xi32, #tpu.memory_space<vmem>>
        %dma_start3A_144 = tpu.memref_squeeze %dma_start3A_143 : memref<1x4xi32, #tpu.memory_space<vmem>> -> memref<4xi32, #tpu.memory_space<vmem>>
        %dma_start3A_145 = arith.constant 0 : i32
        %dma_start3A_146 = arith.constant 0 : i32
        %dma_start3A_147 = tpu.memref_slice %arg2[%dma_start3A_145, %dma_start3A_146] : memref<1000x4096xf32, #tpu.memory_space<hbm>> -> memref<1000x4096xf32, #tpu.memory_space<hbm>>
        tpu.enqueue_indirect_dma source(%dma_start3A_147 : memref<1000x4096xf32, #tpu.memory_space<hbm>>) target(%arg6 : memref<4x4096xf32, #tpu.memory_space<vmem>>) offsets(%dma_start3A_144 : memref<4xi32, #tpu.memory_space<vmem>>) semaphore(%arg10 : memref<!tpu.dma_semaphore, #tpu.memory_space<semaphore_mem>>)
      } else {
      }
      %mul3A_114 = arith.constant 4 : i32
      %mul3A_115 = arith.muli %mul3A_114, %scan3A_44 : i32
      %add3A_116 = arith.constant 3 : i32
      %add3A_117 = arith.addi %mul3A_115, %add3A_116 : i32
      %dma_wait3A_118 = arith.constant 0 : i32
      %dma_wait3A_119 = tpu.memref_slice %arg5[%add3A_117, %dma_wait3A_118] : memref<64x4xi32, #tpu.memory_space<vmem>> -> memref<1x4xi32, #tpu.memory_space<vmem>>
      %dma_wait3A_120 = tpu.memref_squeeze %dma_wait3A_119 : memref<1x4xi32, #tpu.memory_space<vmem>> -> memref<4xi32, #tpu.memory_space<vmem>>
      %dma_wait3A_121 = arith.constant 0 : i32
      %dma_wait3A_122 = arith.constant 0 : i32
      %dma_wait3A_123 = tpu.memref_slice %arg2[%dma_wait3A_121, %dma_wait3A_122] : memref<1000x4096xf32, #tpu.memory_space<hbm>> -> memref<1000x4096xf32, #tpu.memory_space<hbm>>
      tpu.wait_indirect_dma semaphore(%arg13 : memref<!tpu.dma_semaphore, #tpu.memory_space<semaphore_mem>>) src(%dma_wait3A_123 : memref<1000x4096xf32, #tpu.memory_space<hbm>>) dst(%arg9 : memref<4x4096xf32, #tpu.memory_space<vmem>>)
      %mul3A_124 = arith.constant 4 : i32
      %mul3A_125 = arith.muli %add3A_117, %mul3A_124 : i32
      %add3A_126 = arith.addi %mul3A_2, %mul3A_125 : i32
      %dma_start3A_127 = arith.constant 0 : i32
      %dma_start3A_128 = tpu.memref_slice %arg4[%add3A_126, %dma_start3A_127] : memref<8192x4096xf32, #tpu.memory_space<hbm>> -> memref<4x4096xf32, #tpu.memory_space<hbm>>
      %dma_start3A_129 = arith.constant 0 : i32
      %dma_start3A_130 = tpu.memref_slice %arg4[%add3A_126, %dma_start3A_129] : memref<8192x4096xf32, #tpu.memory_space<hbm>> -> memref<4x4096xf32, #tpu.memory_space<hbm>>
      tpu.enqueue_dma source(%arg9 : memref<4x4096xf32, #tpu.memory_space<vmem>>) target(%dma_start3A_130 : memref<4x4096xf32, #tpu.memory_space<hbm>>) target_semaphore(%arg17 : memref<!tpu.dma_semaphore, #tpu.memory_space<semaphore_mem>>)
      %add3A_131 = arith.constant 2 : i32
      %add3A_132 = arith.addi %add3A_117, %add3A_131 : i32
      %lt3A_133 = arith.constant 64 : i32
      %lt3A_134 = arith.cmpi slt, %add3A_132, %lt3A_133 : i32
      %convert_element_type3A_135 = arith.extui %lt3A_134 : i1 to i32
      %cond3A_136 = arith.constant 0 : i32
      %cond3A_137 = arith.cmpi ne, %convert_element_type3A_135, %cond3A_136 : i32
      scf.if %cond3A_137 {
        %ge3A = arith.constant 4 : i32
        %ge3A_138 = arith.cmpi sge, %add3A_132, %ge3A : i32
        %convert_element_type3A_139 = arith.extui %ge3A_138 : i1 to i32
        %cond3A_140 = arith.constant 0 : i32
        %cond3A_141 = arith.cmpi ne, %convert_element_type3A_139, %cond3A_140 : i32
        scf.if %cond3A_141 {
          %sub3A = arith.constant 4 : i32
          %sub3A_148 = arith.subi %add3A_132, %sub3A : i32
          %mul3A_149 = arith.constant 4 : i32
          %mul3A_150 = arith.muli %sub3A_148, %mul3A_149 : i32
          %add3A_151 = arith.addi %mul3A_2, %mul3A_150 : i32
          %dma_wait3A_152 = arith.constant 0 : i32
          %dma_wait3A_153 = tpu.memref_slice %arg4[%add3A_151, %dma_wait3A_152] : memref<8192x4096xf32, #tpu.memory_space<hbm>> -> memref<4x4096xf32, #tpu.memory_space<hbm>>
          %dma_wait3A_154 = arith.constant 0 : i32
          %dma_wait3A_155 = tpu.memref_slice %arg4[%add3A_151, %dma_wait3A_154] : memref<8192x4096xf32, #tpu.memory_space<hbm>> -> memref<4x4096xf32, #tpu.memory_space<hbm>>
          tpu.wait_dma2 semaphore(%arg15 : memref<!tpu.dma_semaphore, #tpu.memory_space<semaphore_mem>>) src(%arg7 : memref<4x4096xf32, #tpu.memory_space<vmem>>) dst(%dma_wait3A_155 : memref<4x4096xf32, #tpu.memory_space<hbm>>)
        } else {
        }
        %dma_start3A_142 = arith.constant 0 : i32
        %dma_start3A_143 = tpu.memref_slice %arg5[%add3A_132, %dma_start3A_142] : memref<64x4xi32, #tpu.memory_space<vmem>> -> memref<1x4xi32, #tpu.memory_space<vmem>>
        %dma_start3A_144 = tpu.memref_squeeze %dma_start3A_143 : memref<1x4xi32, #tpu.memory_space<vmem>> -> memref<4xi32, #tpu.memory_space<vmem>>
        %dma_start3A_145 = arith.constant 0 : i32
        %dma_start3A_146 = arith.constant 0 : i32
        %dma_start3A_147 = tpu.memref_slice %arg2[%dma_start3A_145, %dma_start3A_146] : memref<1000x4096xf32, #tpu.memory_space<hbm>> -> memref<1000x4096xf32, #tpu.memory_space<hbm>>
        tpu.enqueue_indirect_dma source(%dma_start3A_147 : memref<1000x4096xf32, #tpu.memory_space<hbm>>) target(%arg7 : memref<4x4096xf32, #tpu.memory_space<vmem>>) offsets(%dma_start3A_144 : memref<4xi32, #tpu.memory_space<vmem>>) semaphore(%arg11 : memref<!tpu.dma_semaphore, #tpu.memory_space<semaphore_mem>>)
      } else {
      }
    }
    %scan3A_20 = arith.constant 16 : i32
    %add3A_21 = arith.constant 240 : i32
    %add3A_22 = arith.addi %mul3A_2, %add3A_21 : i32
    %dma_wait3A = arith.constant 0 : i32
    %dma_wait3A_23 = tpu.memref_slice %arg4[%add3A_22, %dma_wait3A] : memref<8192x4096xf32, #tpu.memory_space<hbm>> -> memref<4x4096xf32, #tpu.memory_space<hbm>>
    %dma_wait3A_24 = arith.constant 0 : i32
    %dma_wait3A_25 = tpu.memref_slice %arg4[%add3A_22, %dma_wait3A_24] : memref<8192x4096xf32, #tpu.memory_space<hbm>> -> memref<4x4096xf32, #tpu.memory_space<hbm>>
    tpu.wait_dma2 semaphore(%arg14 : memref<!tpu.dma_semaphore, #tpu.memory_space<semaphore_mem>>) src(%arg6 : memref<4x4096xf32, #tpu.memory_space<vmem>>) dst(%dma_wait3A_25 : memref<4x4096xf32, #tpu.memory_space<hbm>>)
    %add3A_26 = arith.constant 244 : i32
    %add3A_27 = arith.addi %mul3A_2, %add3A_26 : i32
    %dma_wait3A_28 = arith.constant 0 : i32
    %dma_wait3A_29 = tpu.memref_slice %arg4[%add3A_27, %dma_wait3A_28] : memref<8192x4096xf32, #tpu.memory_space<hbm>> -> memref<4x4096xf32, #tpu.memory_space<hbm>>
    %dma_wait3A_30 = arith.constant 0 : i32
    %dma_wait3A_31 = tpu.memref_slice %arg4[%add3A_27, %dma_wait3A_30] : memref<8192x4096xf32, #tpu.memory_space<hbm>> -> memref<4x4096xf32, #tpu.memory_space<hbm>>
    tpu.wait_dma2 semaphore(%arg15 : memref<!tpu.dma_semaphore, #tpu.memory_space<semaphore_mem>>) src(%arg7 : memref<4x4096xf32, #tpu.memory_space<vmem>>) dst(%dma_wait3A_31 : memref<4x4096xf32, #tpu.memory_space<hbm>>)
    %add3A_32 = arith.constant 248 : i32
    %add3A_33 = arith.addi %mul3A_2, %add3A_32 : i32
    %dma_wait3A_34 = arith.constant 0 : i32
    %dma_wait3A_35 = tpu.memref_slice %arg4[%add3A_33, %dma_wait3A_34] : memref<8192x4096xf32, #tpu.memory_space<hbm>> -> memref<4x4096xf32, #tpu.memory_space<hbm>>
    %dma_wait3A_36 = arith.constant 0 : i32
    %dma_wait3A_37 = tpu.memref_slice %arg4[%add3A_33, %dma_wait3A_36] : memref<8192x4096xf32, #tpu.memory_space<hbm>> -> memref<4x4096xf32, #tpu.memory_space<hbm>>
    tpu.wait_dma2 semaphore(%arg16 : memref<!tpu.dma_semaphore, #tpu.memory_space<semaphore_mem>>) src(%arg8 : memref<4x4096xf32, #tpu.memory_space<vmem>>) dst(%dma_wait3A_37 : memref<4x4096xf32, #tpu.memory_space<hbm>>)
    %add3A_38 = arith.constant 252 : i32
    %add3A_39 = arith.addi %mul3A_2, %add3A_38 : i32
    %dma_wait3A_40 = arith.constant 0 : i32
    %dma_wait3A_41 = tpu.memref_slice %arg4[%add3A_39, %dma_wait3A_40] : memref<8192x4096xf32, #tpu.memory_space<hbm>> -> memref<4x4096xf32, #tpu.memory_space<hbm>>
    %dma_wait3A_42 = arith.constant 0 : i32
    %dma_wait3A_43 = tpu.memref_slice %arg4[%add3A_39, %dma_wait3A_42] : memref<8192x4096xf32, #tpu.memory_space<hbm>> -> memref<4x4096xf32, #tpu.memory_space<hbm>>
    tpu.wait_dma2 semaphore(%arg17 : memref<!tpu.dma_semaphore, #tpu.memory_space<semaphore_mem>>) src(%arg9 : memref<4x4096xf32, #tpu.memory_space<vmem>>) dst(%dma_wait3A_43 : memref<4x4096xf32, #tpu.memory_space<hbm>>)
    return
  }
}

module attributes {stable_mosaic.version = 14 : i64} {
  func.func @_rope_body(%arg0: i32, %arg1: memref<512x128xf32, #tpu.memory_space<vmem>>, %arg2: memref<512x128xf32, #tpu.memory_space<vmem>>, %arg3: memref<4x2048xi32, #tpu.memory_space<vmem>>) attributes {dimension_semantics = [#tpu.dimension_semantics<arbitrary>], iteration_bounds = array<i64: 8>, scalar_prefetch = 0 : i64, scratch_operands = 0 : i64, tpu.core_type = #tpu.core_type<tc>, window_params = [{transform_indices = @transform_0, window_bounds = array<i64: 512, 128>}, {transform_indices = @transform_1, window_bounds = array<i64: 512, 128>}, {pipeline_mode = #tpu.pipeline_mode<synchronous>, transform_indices = @transform_2, window_bounds = array<i64: 4, 2048>}]} {
    %iota3A = tpu.iota {dimensions = array<i32: 1>} : vector<512x128xi32>
    %mul3A = arith.constant 512 : i32
    %mul3A_0 = arith.muli %arg0, %mul3A : i32
    %iota3A_1 = tpu.iota {dimensions = array<i32: 0>} : vector<512x128xi32>
    %add3A = vector.broadcast %mul3A_0 : i32 to vector<512x128xi32>
    %add3A_2 = arith.addi %add3A, %iota3A_1 : vector<512x128xi32>
    %mul3A_3 = arith.constant 2 : i32
    %mul3A_4 = vector.broadcast %mul3A_3 : i32 to vector<512x128xi32>
    %mul3A_5 = arith.muli %mul3A_4, %add3A_2 : vector<512x128xi32>
    %ge3A = arith.constant 64 : i32
    %ge3A_6 = vector.broadcast %ge3A : i32 to vector<512x128xi32>
    %ge3A_7 = arith.cmpi sge, %iota3A, %ge3A_6 : vector<512x128xi32>
    %convert_element_type3A = arith.extui %ge3A_7 : vector<512x128xi1> to vector<512x128xi32>
    %add3A_8 = arith.addi %mul3A_5, %convert_element_type3A : vector<512x128xi32>
    %convert_element_type3A_9 = arith.sitofp %add3A_8 : vector<512x128xi32> to vector<512x128xf32>
    %and3A = arith.constant 63 : i32
    %and3A_10 = vector.broadcast %and3A : i32 to vector<512x128xi32>
    %and3A_11 = arith.andi %iota3A, %and3A_10 : vector<512x128xi32>
    %convert_element_type3A_12 = arith.sitofp %and3A_11 : vector<512x128xi32> to vector<512x128xf32>
    %mul3A_13 = arith.constant -0.14391157 : f32
    %mul3A_14 = vector.broadcast %mul3A_13 : f32 to vector<512x128xf32>
    %mul3A_15 = arith.mulf %convert_element_type3A_12, %mul3A_14 : vector<512x128xf32>
    %exp3A = math.exp %mul3A_15 : vector<512x128xf32>
    %mul3A_16 = arith.mulf %convert_element_type3A_9, %exp3A : vector<512x128xf32>
    %cos3A = math.cos %mul3A_16 : vector<512x128xf32>
    %swap3A = arith.constant 0 : index
    %swap3A_17 = arith.constant 0 : index
    %swap3A_18 = vector.load %arg1[%swap3A, %swap3A_17] : memref<512x128xf32, #tpu.memory_space<vmem>>, vector<512x128xf32>
    tpu.vector_store %arg1[%swap3A, %swap3A_17], %cos3A {strides = array<i32>} : memref<512x128xf32, #tpu.memory_space<vmem>>, vector<512x128xf32>,
    %sin3A = math.sin %mul3A_16 : vector<512x128xf32>
    %swap3A_19 = arith.constant 0 : index
    %swap3A_20 = arith.constant 0 : index
    %swap3A_21 = vector.load %arg2[%swap3A_19, %swap3A_20] : memref<512x128xf32, #tpu.memory_space<vmem>>, vector<512x128xf32>
    tpu.vector_store %arg2[%swap3A_19, %swap3A_20], %sin3A {strides = array<i32>} : memref<512x128xf32, #tpu.memory_space<vmem>>, vector<512x128xf32>,
    %eq3A = arith.constant 0 : i32
    %eq3A_22 = arith.cmpi eq, %arg0, %eq3A : i32
    %convert_element_type3A_23 = arith.extui %eq3A_22 : i1 to i32
    %cond3A = arith.constant 0 : i32
    %cond3A_24 = arith.cmpi ne, %convert_element_type3A_23, %cond3A : i32
    scf.if %cond3A_24 {
      %iota3A_25 = tpu.iota {dimensions = array<i32: 1>} : vector<4x2048xi32>
      %swap3A_26 = arith.constant 0 : index
      %swap3A_27 = arith.constant 0 : index
      %swap3A_28 = vector.load %arg3[%swap3A_26, %swap3A_27] : memref<4x2048xi32, #tpu.memory_space<vmem>>, vector<4x2048xi32>
      tpu.vector_store %arg3[%swap3A_26, %swap3A_27], %iota3A_25 {strides = array<i32>} : memref<4x2048xi32, #tpu.memory_space<vmem>>, vector<4x2048xi32>,
    } else {
    }
    return
  }
  func.func @transform_0(%arg0: i32) -> (i32, i32) {
    %c0_i32 = arith.constant 0 : i32
    %c0_i32_0 = arith.constant 0 : i32
    return %arg0, %c0_i32 : i32, i32
  }
  func.func @transform_1(%arg0: i32) -> (i32, i32) {
    %c0_i32 = arith.constant 0 : i32
    %c0_i32_0 = arith.constant 0 : i32
    return %arg0, %c0_i32 : i32, i32
  }
  func.func @transform_2(%arg0: i32) -> (i32, i32) {
    %c0_i32 = arith.constant 0 : i32
    %c0_i32_0 = arith.constant 0 : i32
    %c0_i32_1 = arith.constant 0 : i32
    return %c0_i32, %c0_i32_0 : i32, i32
  }
}

</mosaic_0001>

<sc_bundles>
// kernel: kernel.4.cloned.1.call-start
scs
__scs_entry_jumppad:
0x0: {  	(pc) =	sbr.rel $0x88, $3  }
0x1: {  	(tag) =	ssettag $0x0;
	lr =	simm.s32 $0x1  }
0x2: {  	[smem:$0x3F9F] =	sst lr;
	_ =	strace $0xD0000000  }
0x3: {  	_ = 	snop  }
0x4: {  	_ = 	snop  }
0x5: {  	_ = 	snop  }
0x6: {  	_ = 	snop  }
0x7: {  	_ = 	snop  }
__scs_overlays_trampoline_lowered:
0x8: {  	[smem:$0x3FAE] =	sst s0  }
0x9: {  	[smem:$0x3FAF] =	sst s1  }
0xa: {  	[smem:$0x3FB0] =	sst s2  }
0xb: {  	[smem:$0x3FB1] =	sst s3  }
0xc: {  	[smem:$0x3FB2] =	sst s4  }
0xd: {  	[smem:$0x3FB3] =	sst s5  }
0xe: {  	[smem:$0x3FB4] =	sst s6  }
0xf: {  	[smem:$0x3FB5] =	sst s7  }
0x10: {  	[smem:$0x3FB6] =	sst s8  }
0x11: {  	[smem:$0x3FB7] =	sst s9;
	s0 =	simm.s32 @!p0 $0x0  }
0x12: {  	s1 =	sld [smem:$0x3F9D];
	s0 =	simm.s32 @p0 $0x1  }
0x13: {  	[smem:$0x3FB8] =	sst s0;
	s0 =	simm.s32 @!p1 $0x0  }
0x14: {  	s2 =	sld [smem:$0x3F9C];
	s0 =	simm.s32 @p1 $0x1  }
0x15: {  	[smem:$0x3FB9] =	sst s0;
	s0 =	simm.s32 @!p2 $0x0  }
0x16: {  	s3 =	sld [smem:$0x3FDB];
	s0 =	simm.s32 @p2 $0x1  }
0x17: {  	s4 =	simm.s32 $0x1BF5;
	[smem:$0x3FBB] =	sst s0  }
0x18: {  	s0 =	sld [smem:$0x3F9E];
	_ =	swait.ge [sflag:s4], $0x0  }
0x19: {  	s7 =	sld [smem:$0x3F9F]  }
0x1a: {  	s8 =	sadd.s32 $0xFFFFE003, lr  }
0x1b: {  	s9 =	sadd.s32 $0xFFFFFEF7, lr;
	s5 =	simm.s32 $0xFFFFFFFF;
	p2 =	slt.u32 s8, $0xFFFFF086  }
0x1c: {  	p1 =	slt.u32 s9, $0xF7A;
	s5 =	simm.s32 @!p2 $0x0  }
0x1d: {  	s5 =	simm.s32 @p1 $0x1;
	p0 =	seq.s32 s7, s2  }
0x1e: {  	s7 =	smul.u32 @!p0 $0xF7A, s2;
	p2 =	seq.s32 @!p0 s5, $0x0  }
0x1f: {  	s9 =	smul.u32 $0xF7A, s1;
	s8 =	simm.s32 @!p0 $0x1BF5;
	p2 =	por !p2, p0  }
0x20: {  	[sflag:s8] =	ssyncset.s32 @!p0 $0xFFFFF086;
	s6 =	sadd.s32 @!p0 s3, s7;
	s7 =	simm.s32 @!p0 $0x108  }
0x21: {  	s3 =	sadd.s32 s3, s9;
	s6 =	sadd.s32 @!p0 $0x88, s6;
	s7 =	simm.s32 @p2 $0x1082  }
0x22: {  	[simem:s7], [sflag:s8] =	dma.local @!p0 [hbm:s6], $0xF7A  }
0x23: {  	s9 =	sor.u32 $0xD0000000, s2;
	s6 =	simm.s32 $0x108;
	_ =	swait.ge @!p0 [sflag:s8], $0x0  }
0x24: {  	s3 =	sadd.s32 $0x88, s3;
	s6 =	simm.s32 @!p1 $0x1082;
	[sflag:s4] =	ssyncset.s32 $0xFFFFF086  }
0x25: {  	[simem:s6], [sflag:s4] =	dma.local [hbm:s3], $0xF7A  }
0x26: {  	[smem:$0x3F9F] =	sst s1;
	(tag) =	ssettag s2;
	_ =	strace s9  }
0x27: {  	s1 =	sld [smem:$0x3FAF]  }
0x28: {  	s2 =	sld [smem:$0x3FB0]  }
0x29: {  	s4 =	sld [smem:$0x3FB2]  }
0x2a: {  	p0 =	seq.s32 s5, $0x0;
	s5 =	sld [smem:$0x3FB3]  }
0x2b: {  	s6 =	sld [smem:$0x3FB4]  }
0x2c: {  	s7 =	sld [smem:$0x3FB5]  }
0x2d: {  	s3 =	simm.s32 $0x108;
	s8 =	sld [smem:$0x3FB6]  }
0x2e: {  	s3 =	simm.s32 @!p0 $0x1082;
	s9 =	sld [smem:$0x3FB7]  }
0x2f: {  	lr =	sadd.s32 s0, s3;
	s0 =	sld [smem:$0x3FAE]  }
0x30: {  	s3 =	sld [smem:$0x3FB1]  }
0x31: {  	[smem:$0x3FBA] =	sst s10  }
0x32: {  	s10 =	sld [smem:$0x3FB8];
	_ =	sdelay $0x3  }
0x33: {  	p0 =	seq.s32 s10, $0x1;
	s10 =	sld [smem:$0x3FBA];
	_ =	sdelay $0x3  }
0x34: {  	[smem:$0x3FBA] =	sst s10  }
0x35: {  	s10 =	sld [smem:$0x3FB9];
	_ =	sdelay $0x3  }
0x36: {  	p1 =	seq.s32 s10, $0x1;
	s10 =	sld [smem:$0x3FBA];
	_ =	sdelay $0x3  }
0x37: {  	[smem:$0x3FBA] =	sst s10  }
0x38: {  	s10 =	sld [smem:$0x3FBB]  }
0x39: {  	_ = 	snop;
	(pc) =	sbr.ind lr, $3  }
0x3a: {  	_ = 	snop  }
0x3b: {  	_ = 	snop  }
0x3c: {  	p2 =	seq.s32 s10, $0x1;
	s10 =	sld [smem:$0x3FBA]  }
0x3d: {  	_ =	shalt  }
0x3e: {  	_ =	shalt  }
0x3f: {  	_ =	shalt  }
0x40: {  	_ =	shalt  }
0x41: {  	_ =	shalt  }
0x42: {  	_ =	shalt  }
0x43: {  	_ =	shalt  }
0x44: {  	_ =	shalt  }
0x45: {  	_ =	shalt  }
0x46: {  	_ =	shalt  }
0x47: {  	_ =	shalt  }
0x48: {  	_ =	shalt  }
0x49: {  	_ =	shalt  }
0x4a: {  	_ =	shalt  }
0x4b: {  	_ =	shalt  }
0x4c: {  	_ =	shalt  }
0x4d: {  	_ =	shalt  }
0x4e: {  	_ =	shalt  }
0x4f: {  	_ =	shalt  }
0x50: {  	_ =	shalt  }
0x51: {  	_ =	shalt  }
0x52: {  	_ =	shalt  }
0x53: {  	_ =	shalt  }
0x54: {  	_ =	shalt  }
0x55: {  	_ =	shalt  }
0x56: {  	_ =	shalt  }
0x57: {  	_ =	shalt  }
0x58: {  	_ =	shalt  }
0x59: {  	_ =	shalt  }
0x5a: {  	_ =	shalt  }
0x5b: {  	_ =	shalt  }
0x5c: {  	_ =	shalt  }
0x5d: {  	_ =	shalt  }
0x5e: {  	_ =	shalt  }
0x5f: {  	_ =	shalt  }
0x60: {  	_ =	shalt  }
0x61: {  	_ =	shalt  }
0x62: {  	_ =	shalt  }
0x63: {  	_ =	shalt  }
0x64: {  	_ =	shalt  }
0x65: {  	_ =	shalt  }
0x66: {  	_ =	shalt  }
0x67: {  	_ =	shalt  }
0x68: {  	_ =	shalt  }
0x69: {  	_ =	shalt  }
0x6a: {  	_ =	shalt  }
0x6b: {  	_ =	shalt  }
0x6c: {  	_ =	shalt  }
0x6d: {  	_ =	shalt  }
0x6e: {  	_ =	shalt  }
0x6f: {  	_ =	shalt  }
0x70: {  	_ =	shalt  }
0x71: {  	_ =	shalt  }
0x72: {  	_ =	shalt  }
0x73: {  	_ =	shalt  }
0x74: {  	_ =	shalt  }
0x75: {  	_ =	shalt  }
0x76: {  	_ =	shalt  }
0x77: {  	_ =	shalt  }
0x78: {  	_ =	shalt  }
0x79: {  	_ =	shalt  }
0x7a: {  	_ =	shalt  }
0x7b: {  	_ =	shalt  }
0x7c: {  	_ =	shalt  }
0x7d: {  	_ =	shalt  }
0x7e: {  	_ =	shalt  }
0x7f: {  	_ =	shalt  }
0x80: {  	_ =	shalt  }
0x81: {  	_ =	shalt  }
0x82: {  	_ =	shalt  }
0x83: {  	_ =	shalt  }
0x84: {  	_ =	shalt  }
0x85: {  	_ =	shalt  }
0x86: {  	_ =	shalt  }
0x87: {  	_ =	shalt  }
.Lfunc_end0:
.L_simem_size_0:
called_computation_lowered:
.L_overlay_start_0:
0x88: {  	s2 =	sld [smem:$0x3FD9]  }
0x89: {  	s3 =	sld [smem:$0x3FFE];
	_ =	sdelay $0x1  }
0x8a: {  	s1 =	srdreg.scid  }
0x8b: {  	s0 =	sand.u32 $0x1, s1  }
0x8c: {  	s14 =	sshll.u32 s0, $0xA;
	s2 =	sadd.s32 s3, s2  }
0x8d: {  	s2 =	sadd.s32 s2, s14  }
0x8e: {  	[smem:$0x3FC6] =	sst s2  }
0x8f: {  	_ = 	snop  }
0x90: {  	s2 =	sld [smem:$0x3FD0];
	_ =	sdelay $0x2  }
0x91: {  	s4 =	simm.s32 $0xA;
	s5 =	simm.s32 $0x10;
	s15 =	sld [smem:$0x3FC8]  }
0x92: {  	[smem:s5], [sflag:s4] =	dma.local [hbm:s2], $0x1  }
0x93: {  	_ =	swait.eq [sflag:s4], $0x1  }
0x94: {  	[sflag:s4] =	ssyncset.done $0x0  }
0x95: {  	[sflag:s4] =	ssyncadd.s32 $0xFFFFFFFF  }
0x96: {  	s16 =	sld [smem:$0x10];
	(tm) =	ssettm $0x1  }
0x97: {  	s17 =	sld [smem:$0x3FFB];
	_ =	sdelay $0x3  }
0x98: {  	_ =	strace s17  }
0x99: {  	s4 =	sld [smem:$0x3FFC];
	_ =	sdelay $0x3  }
0x9a: {  	_ =	strace s4  }
0x9b: {  	s4 =	sld [smem:$0x3FFD];
	_ =	sdelay $0x3  }
0x9c: {  	_ =	strace s4  }
0x9d: {  	_ =	strace $0x8FFFFFFF  }
0x9e: {  	s18 =	sld [smem:$0x3FDB];
	_ =	sdelay $0x1  }
0x9f: {  	s19 =	simm.s32 $_scs_section_size  }
0xa0: {  	s6 =	simm.s32 $_size__tile_overlayer_lowered;
	s7 =	simm.s32 $_tile_overlayer_lowered  }
0xa1: {  	s22 =	simm.s32 $0x1BFF;
	s21 =	sshll.u32 s7, $0x1;
	s4 =	sadd.s32 s19, s18  }
0xa2: {  	s8 =	simm.s32 $0x0;
	s20 =	sshll.u32 s6, $0x1;
	s6 =	sadd.s32 s21, s4  }
0xa3: {  	[timem:s8], [sflag:s22] =	dma.local [hbm:s6], s20  }
0xa4: {  	_ =	swait.ge [sflag:s22], s20  }
0xa5: {  	s5 =	ssub.s32 $0x0, s20;
	[sflag:s22] =	ssyncset.done $0x0  }
0xa6: {  	[sflag:s22] =	ssyncadd.s32 s5;
	_ =	sdelay $0x1  }
0xa7: {  	s23 =	simm.s32 $0x1B8B  }
0xa8: {  	_ =	swait.ge [sflag:s23], $0x1  }
0xa9: {  	[sflag:s23] =	ssyncset.done $0x0  }
0xaa: {  	s25 =	simm.s32 $0x1B8E;
	s24 =	sld [smem:$0x3FFE];
	[sflag:s23] =	ssyncadd.s32 $0xFFFFFFFF  }
0xab: {  	s26 =	simm.s32 $execute0_lowered;
	[smem:$0x3FD2] =	sst s25  }
0xac: {  	s6 =	sshll.u32 s26, $0x1;
	_ =	strace $0x80000046;
	[dreg:$0x1] =	wrdreg $0xFFFFFFFF  }
0xad: {  	s28 =	simm.s32 $_size_execute0_lowered;
	s4 =	sadd.s32 s4, s6;
	[dreg:$0x0] =	wrdreg $0x0  }
0xae: {  	s6 =	sshll.u32 s28, $0x1;
	[dreg:$0x2] =	wrdreg s4  }
0xaf: {  	[dreg:$0x3] =	wrdreg s6  }
0xb0: {  	[dreg:$0x4] =	wrdreg $0xC0  }
0xb1: {  	_ =	task [dreg:s8], $0x5FFFF  }
0xb2: {  	[dreg:$0x1] =	wrdreg $0xFFFFFFFF  }
0xb3: {  	[dreg:$0x0] =	wrdreg $0x60  }
0xb4: {  	[dreg:$0x2] =	wrdreg s15  }
0xb5: {  	[dreg:$0x3] =	wrdreg s24  }
0xb6: {  	[dreg:$0x4] =	wrdreg s16  }
0xb7: {  	[dreg:$0x5] =	wrdreg $0x9  }
0xb8: {  	_ =	task.clear_ibuf [dreg:s8], $0x6FFFF;
	_ =	strace $0x90000046  }
0xb9: {  	s29 =	simm.s32 $0x9;
	_ =	strace $0x80000048  }
0xba: {  	_ =	swait.ge [sflag:s29], $0x1  }
0xbb: {  	[sflag:s29] =	ssyncadd.s32 $0xFFFFFFFF  }
0xbc: {  	_ =	strace $0x90000048  }
0xbd: {  	_ =	sfence  }
0xbe: {  	s30 =	sld [smem:$0x0];
	_ =	sdelay $0x2  }
0xbf: {  	s31 =	sshll.u32 s1, $0xD;
	s1 =	sshrl.u32 s1, $0x2  }
0xc0: {  	s3 =	sand.u32 $0x4000, s31;
	s1 =	sadd.s32 s1, s30  }
0xc1: {  	s0 =	sor.u32 s3, s0;
	s1 =	sshll.u32 s1, $0x11  }
0xc2: {  	s0 =	sor.u32 s1, s0  }
0xc3: {  	s0 =	sadd.s32 $0x8F2B, s0  }
0xc4: {  	[sflag:s0] =	ssyncadd.remote.s32 $0x1  }
0xc5: {  	_ =	sfence.sel $0xFFFF  }
0xc6: {  	[dreg:$0x0] =	wrdreg $0xFFFFFFFF;
	(pc) =	sbr.abs _section_cstart, $3  }
0xc7: {  	[dreg:$0x1] =	wrdreg $0xFFFFFFFF  }
0xc8: {  	_ =	task.clear_ibuf [dreg:s8], $0x2FFFF;
	_ =	strace $0x9FFFFFFF  }
0xc9: {  	(tm) =	ssettm $0x7FFFFFFF  }
tec
execute0_lowered:
.L_overlay_start_1:
0x0: {  	(tag) =	ssettag $0x1  }
0x1: {  	s1 =	rddreg [dreg:$0x0]  }
0x2: {  	s0 =	rddreg [dreg:$0x1]  }
0x3: {  	s2 =	rddreg [dreg:$0x2];
	s4 =	srdreg.scid  }
0x4: {  	s3 =	simm.s32 $0x0;
	s13 =	stileid.u32;
	s23 =	simm.s32 $0x6000  }
0x5: {  	s16 =	simm.s32 $0x400;
	s17 =	simm.s32 $0xA000;
	s14 =	simm.s32 $0x2  }
0x6: {  	s15 =	simm.s32 $0xE000;
	s28 =	simm.s32 $0x10000;
	s29 =	simm.s32 $0x10800  }
0x7: {  	s30 =	simm.s32 $0x11000;
	s31 =	simm.s32 $0x11800;
	s18 =	simm.s32 $0x3  }
0x8: {  	s19 =	simm.s32 $0x4;
	s20 =	simm.s32 $0x6;
	s21 =	simm.s32 $0x0  }
0x9: {  	s4 =	sand.u32 $0x1, s4;
	s5 =	sshll.u32 s13, $0xB;
	[smem:$0x7FF] =	sst s3  }
0xa: {  	s8 =	sadd.s32 $0x800, s1;
	s9 =	sadd.s32 $0xA00, s1;
	s10 =	sadd.s32 $0xC00, s1  }
0xb: {  	s11 =	sadd.s32 $0xE00, s1;
	s25 =	sshll.u32 s13, $0x12;
	s6 =	sshll.u32 s4, $0xA  }
0xc: {  	s7 =	ssub.s32 $0x2, s4;
	_ =	strace $0x80000047;
	s5 =	sor.u32 s6, s5  }
0xd: {  	s26 =	sshll.u32 s4, $0x11;
	s24 =	sshrl.u32 s7, $0x1;
	s0 =	sadd.s32 s5, s0  }
.Ltmp0:
0xe: {  	s12 =	ssub.s32 s7, s24;
	s0 =	sadd.s32 $0x600, s0;
	(pc) =	sbr.rel .LBB2_1-.Ltmp0, $4  }
0xf: {  	s6 =	sadd.s32 $0x400, s1;
	s12 =	smax.u32 s12, $0x1;
	[dreg:$0x4] =	wrdreg s0  }
0x10: {  	v0 =	vlaneseq.u32;
	s5 =	sadd.s32 $0x200, s1;
	s7 =	sadd.s32 $0x600, s1;
	[dreg:$0x5] =	wrdreg s12  }
0x11: {  	v1 =	vshrl.u32 v0, $0x2;
	s0 =	sadd.s32 s25, s2;
	s2 =	simm.s32 $0x200;
	s25 =	simm.s32 $0xF000  }
0x12: {  	vm0 =	vmmov $0xffff;
	v0 =	vand.u32 $0x3, v0;
	v1 =	vmul.u32 $0x8, v1;
	s13 =	sadd.s32 s26, s0;
	s0 =	simm.s32 $0x1;
	s26 =	simm.s32 $0xF800  }
.LBB2_4:
0x13: {  	s4 =	simm.s32 $0x5  }
0x14: {  	_ =	swait.ge [sflag:s4], $0x4000  }
0x15: {  	[sflag:s4] =	ssyncset.done $0x0  }
0x16: {  	[sflag:s4] =	ssyncadd.s32 $0xFFFFC000  }
0x17: {  	_ =	swait.ge [sflag:s20], $0x4000  }
0x18: {  	[sflag:s20] =	ssyncset.done $0x0  }
0x19: {  	s22 =	simm.s32 $0x7;
	[sflag:s20] =	ssyncadd.s32 $0xFFFFC000  }
0x1a: {  	_ =	swait.ge [sflag:s22], $0x4000  }
0x1b: {  	[sflag:s22] =	ssyncset.done $0x0  }
0x1c: {  	s12 =	simm.s32 $0x8;
	[sflag:s22] =	ssyncadd.s32 $0xFFFFC000  }
0x1d: {  	_ =	swait.ge [sflag:s12], $0x4000  }
0x1e: {  	s21 =	rddreg [dreg:$0x6]  }
0x1f: {  	s24 =	rddreg [dreg:$0x5];
	s21 =	sadd.s32 $0x1, s21  }
0x20: {  	p0 =	sne.s32 s21, s24  }
.Ltmp1:
0x21: {  	_ = 	snop;
	(pc) =	sbr.rel @!p0 .LBB2_5-.Ltmp1, $3  }
0x22: {  	_ =	sdelay $0x1  }
0x23: {  	[sflag:s12] =	ssyncset.done $0x0  }
0x24: {  	[sflag:s12] =	ssyncadd.s32 $0xFFFFC000  }
.LBB2_1:
0x25: {  	[dreg:$0x6] =	wrdreg s21  }
0x26: {  	s4 =	rddreg [dreg:$0x4];
	s12 =	simm.s32 $0x9  }
0x27: {  	[tilespmem:s3], [sflag:$0x9] =	stream.linear.gather [hbm4b:s4+s3], $0x2000, $0x38;
	[tilespmem:$0x12000] =	vst v63  }
0x28: {  	_ =	swait.ge [sflag:s12], $0x2000  }
0x29: {  	[sflag:s12] =	ssyncset.done $0x0  }
0x2a: {  	[sflag:s12] =	ssyncadd.s32 $0xFFFFE000  }
0x2b: {  	v2 =	vld.msk [tilespmem:$0x0], $0xf;
	_ =	sdelay $0x4  }
0x2c: {  	v3 =	vshll.u32 v2, $0x5  }
0x2d: {  	v2 =	vand.u32 $0x7, v2;
	v3 =	vand.u32 $0xFFFFFF00, v3  }
0x2e: {  	v2 =	vor.u32 v2, v3  }
0x2f: {  	v2 =	vperm.xlane v2, v0;
	_ =	sdelay $0x1  }
0x30: {  	v2 =	vadd.s32 v1, v2;
	_ =	sdelay $0x3  }
0x31: {  	s21 =	simm.s32 $0x2000  }
0x32: {  	[tilespmem:s21], [sflag:$0x1] =	stream.indirect_vreg.gather [hbm4b:s1+s3], $0x80, v2, vm0, $0xb8;
	[tilespmem:$0x12000] =	vst v63  }
0x33: {  	s22 =	simm.s32 $0x2800  }
0x34: {  	[tilespmem:s22], [sflag:$0x1] =	stream.indirect_vreg.gather [hbm4b:s5+s3], $0x80, v2, vm0, $0xb8;
	[tilespmem:$0x12000] =	vst v63  }
0x35: {  	s24 =	simm.s32 $0x3000  }
0x36: {  	[tilespmem:s24], [sflag:$0x1] =	stream.indirect_vreg.gather [hbm4b:s6+s3], $0x80, v2, vm0, $0xb8;
	[tilespmem:$0x12000] =	vst v63  }
0x37: {  	s12 =	simm.s32 $0x3800  }
0x38: {  	[tilespmem:s12], [sflag:$0x1] =	stream.indirect_vreg.gather [hbm4b:s7+s3], $0x80, v2, vm0, $0xb8;
	[tilespmem:$0x12000] =	vst v63  }
0x39: {  	s21 =	simm.s32 $0x4000  }
0x3a: {  	[tilespmem:s21], [sflag:$0x1] =	stream.indirect_vreg.gather [hbm4b:s8+s3], $0x80, v2, vm0, $0xb8;
	[tilespmem:$0x12000] =	vst v63  }
0x3b: {  	s22 =	simm.s32 $0x4800  }
0x3c: {  	[tilespmem:s22], [sflag:$0x1] =	stream.indirect_vreg.gather [hbm4b:s9+s3], $0x80, v2, vm0, $0xb8;
	[tilespmem:$0x12000] =	vst v63  }
0x3d: {  	s24 =	simm.s32 $0x5000  }
0x3e: {  	[tilespmem:s24], [sflag:$0x1] =	stream.indirect_vreg.gather [hbm4b:s10+s3], $0x80, v2, vm0, $0xb8;
	[tilespmem:$0x12000] =	vst v63  }
0x3f: {  	s12 =	simm.s32 $0x5800  }
0x40: {  	[tilespmem:s12], [sflag:$0x1] =	stream.indirect_vreg.gather [hbm4b:s11+s3], $0x80, v2, vm0, $0xb8;
	[tilespmem:$0x12000] =	vst v63  }
0x41: {  	v2 =	vld.msk [tilespmem:$0x80], $0xf;
	_ =	sdelay $0x4  }
0x42: {  	v3 =	vshll.u32 v2, $0x5  }
0x43: {  	v2 =	vand.u32 $0x7, v2;
	v3 =	vand.u32 $0xFFFFFF00, v3  }
0x44: {  	v2 =	vor.u32 v2, v3  }
0x45: {  	v2 =	vperm.xlane v2, v0;
	_ =	sdelay $0x1  }
0x46: {  	v2 =	vadd.s32 v1, v2;
	_ =	sdelay $0x4  }
0x47: {  	[tilespmem:s23], [sflag:$0x2] =	stream.indirect_vreg.gather [hbm4b:s1+s3], $0x80, v2, vm0, $0xb8;
	[tilespmem:$0x12000] =	vst v63  }
0x48: {  	s21 =	simm.s32 $0x6800  }
0x49: {  	[tilespmem:s21], [sflag:$0x2] =	stream.indirect_vreg.gather [hbm4b:s5+s3], $0x80, v2, vm0, $0xb8;
	[tilespmem:$0x12000] =	vst v63  }
0x4a: {  	s22 =	simm.s32 $0x7000  }
0x4b: {  	[tilespmem:s22], [sflag:$0x2] =	stream.indirect_vreg.gather [hbm4b:s6+s3], $0x80, v2, vm0, $0xb8;
	[tilespmem:$0x12000] =	vst v63  }
0x4c: {  	s24 =	simm.s32 $0x7800  }
0x4d: {  	[tilespmem:s24], [sflag:$0x2] =	stream.indirect_vreg.gather [hbm4b:s7+s3], $0x80, v2, vm0, $0xb8;
	[tilespmem:$0x12000] =	vst v63  }
0x4e: {  	s12 =	simm.s32 $0x8000  }
0x4f: {  	[tilespmem:s12], [sflag:$0x2] =	stream.indirect_vreg.gather [hbm4b:s8+s3], $0x80, v2, vm0, $0xb8;
	[tilespmem:$0x12000] =	vst v63  }
0x50: {  	s21 =	simm.s32 $0x8800  }
0x51: {  	[tilespmem:s21], [sflag:$0x2] =	stream.indirect_vreg.gather [hbm4b:s9+s3], $0x80, v2, vm0, $0xb8;
	[tilespmem:$0x12000] =	vst v63  }
0x52: {  	s22 =	simm.s32 $0x9000  }
0x53: {  	[tilespmem:s22], [sflag:$0x2] =	stream.indirect_vreg.gather [hbm4b:s10+s3], $0x80, v2, vm0, $0xb8;
	[tilespmem:$0x12000] =	vst v63  }
0x54: {  	s24 =	simm.s32 $0x9800;
	s21 =	simm.s32 $0x180;
	s22 =	simm.s32 $0x0  }
0x55: {  	[tilespmem:s24], [sflag:$0x2] =	stream.indirect_vreg.gather [hbm4b:s11+s3], $0x80, v2, vm0, $0xb8;
	[tilespmem:$0x12000] =	vst v63  }
.LBB2_2:
0x56: {  	_ =	swait.ge [sflag:s0], $0x4000  }
0x57: {  	s4 =	sadd.s32 s22, s13;
	[sflag:s0] =	ssyncset.done $0x0  }
0x58: {  	s12 =	simm.s32 $0x2000;
	p0 =	seq.s32 s22, $0x0;
	[sflag:s0] =	ssyncadd.s32 $0xFFFFC000  }
0x59: {  	[hbm4b:s4+s2] =	stream.strided.scatter [tilespmem:s12], [sflag:$0x5], $0x4000, s16, s2, $0x38;
	[tilespmem:$0x12000] =	vst v63  }
0x5a: {  	s12 =	simm.s32 @!p0 $0x7  }
0x5b: {  	_ =	swait.ge @!p0 [sflag:s12], $0x4000  }
0x5c: {  	[sflag:s12] =	ssyncset.done @!p0 $0x0  }
0x5d: {  	[sflag:s12] =	ssyncadd.s32 @!p0 $0xFFFFC000  }
0x5e: {  	v2 =	vld.msk [tilespmem:s21+$0xFFFFFF80], $0xf;
	_ =	sdelay $0x4  }
0x5f: {  	v3 =	vshll.u32 v2, $0x5  }
0x60: {  	v2 =	vand.u32 $0x7, v2;
	v3 =	vand.u32 $0xFFFFFF00, v3  }
0x61: {  	v2 =	vor.u32 v2, v3  }
0x62: {  	v2 =	vperm.xlane v2, v0;
	_ =	sdelay $0x1  }
0x63: {  	v2 =	vadd.s32 v1, v2;
	_ =	sdelay $0x4  }
0x64: {  	[tilespmem:s17], [sflag:$0x3] =	stream.indirect_vreg.gather [hbm4b:s1+s3], $0x80, v2, vm0, $0xb8;
	[tilespmem:$0x12000] =	vst v63  }
0x65: {  	s24 =	simm.s32 $0xA800  }
0x66: {  	[tilespmem:s24], [sflag:$0x3] =	stream.indirect_vreg.gather [hbm4b:s5+s3], $0x80, v2, vm0, $0xb8;
	[tilespmem:$0x12000] =	vst v63  }
0x67: {  	s24 =	simm.s32 $0xB000  }
0x68: {  	[tilespmem:s24], [sflag:$0x3] =	stream.indirect_vreg.gather [hbm4b:s6+s3], $0x80, v2, vm0, $0xb8;
	[tilespmem:$0x12000] =	vst v63  }
0x69: {  	s24 =	simm.s32 $0xB800  }
0x6a: {  	[tilespmem:s24], [sflag:$0x3] =	stream.indirect_vreg.gather [hbm4b:s7+s3], $0x80, v2, vm0, $0xb8;
	[tilespmem:$0x12000] =	vst v63  }
0x6b: {  	s24 =	simm.s32 $0xC000  }
0x6c: {  	[tilespmem:s24], [sflag:$0x3] =	stream.indirect_vreg.gather [hbm4b:s8+s3], $0x80, v2, vm0, $0xb8;
	[tilespmem:$0x12000] =	vst v63  }
0x6d: {  	s24 =	simm.s32 $0xC800  }
0x6e: {  	[tilespmem:s24], [sflag:$0x3] =	stream.indirect_vreg.gather [hbm4b:s9+s3], $0x80, v2, vm0, $0xb8;
	[tilespmem:$0x12000] =	vst v63  }
0x6f: {  	s24 =	simm.s32 $0xD000  }
0x70: {  	[tilespmem:s24], [sflag:$0x3] =	stream.indirect_vreg.gather [hbm4b:s10+s3], $0x80, v2, vm0, $0xb8;
	[tilespmem:$0x12000] =	vst v63  }
0x71: {  	s24 =	simm.s32 $0xD800  }
0x72: {  	[tilespmem:s24], [sflag:$0x3] =	stream.indirect_vreg.gather [hbm4b:s11+s3], $0x80, v2, vm0, $0xb8;
	[tilespmem:$0x12000] =	vst v63  }
0x73: {  	_ =	swait.ge [sflag:s14], $0x4000  }
0x74: {  	[sflag:s14] =	ssyncset.done $0x0  }
0x75: {  	s12 =	simm.s32 @!p0 $0x8;
	s24 =	sadd.s32 $0x40, s4;
	[sflag:s14] =	ssyncadd.s32 $0xFFFFC000  }
0x76: {  	[hbm4b:s24+s2] =	stream.strided.scatter [tilespmem:s23], [sflag:$0x6], $0x4000, s16, s2, $0x38;
	[tilespmem:$0x12000] =	vst v63  }
0x77: {  	_ =	swait.ge @!p0 [sflag:s12], $0x4000  }
0x78: {  	[sflag:s12] =	ssyncset.done @!p0 $0x0  }
0x79: {  	[sflag:s12] =	ssyncadd.s32 @!p0 $0xFFFFC000  }
0x7a: {  	v2 =	vld.msk [tilespmem:s21+$0x0], $0xf;
	_ =	sdelay $0x4  }
0x7b: {  	v3 =	vshll.u32 v2, $0x5  }
0x7c: {  	v2 =	vand.u32 $0x7, v2;
	v3 =	vand.u32 $0xFFFFFF00, v3  }
0x7d: {  	v2 =	vor.u32 v2, v3  }
0x7e: {  	v2 =	vperm.xlane v2, v0;
	_ =	sdelay $0x1  }
0x7f: {  	v2 =	vadd.s32 v1, v2;
	_ =	sdelay $0x4  }
0x80: {  	[tilespmem:s15], [sflag:$0x4] =	stream.indirect_vreg.gather [hbm4b:s1+s3], $0x80, v2, vm0, $0xb8;
	[tilespmem:$0x12000] =	vst v63  }
0x81: {  	s24 =	simm.s32 $0xE800  }
0x82: {  	[tilespmem:s24], [sflag:$0x4] =	stream.indirect_vreg.gather [hbm4b:s5+s3], $0x80, v2, vm0, $0xb8;
	[tilespmem:$0x12000] =	vst v63  }
0x83: {  	_ = 	snop  }
0x84: {  	[tilespmem:s25], [sflag:$0x4] =	stream.indirect_vreg.gather [hbm4b:s6+s3], $0x80, v2, vm0, $0xb8;
	[tilespmem:$0x12000] =	vst v63  }
0x85: {  	_ = 	snop  }
0x86: {  	[tilespmem:s26], [sflag:$0x4] =	stream.indirect_vreg.gather [hbm4b:s7+s3], $0x80, v2, vm0, $0xb8;
	[tilespmem:$0x12000] =	vst v63  }
0x87: {  	_ = 	snop  }
0x88: {  	[tilespmem:s28], [sflag:$0x4] =	stream.indirect_vreg.gather [hbm4b:s8+s3], $0x80, v2, vm0, $0xb8;
	[tilespmem:$0x12000] =	vst v63  }
0x89: {  	_ = 	snop  }
0x8a: {  	[tilespmem:s29], [sflag:$0x4] =	stream.indirect_vreg.gather [hbm4b:s9+s3], $0x80, v2, vm0, $0xb8;
	[tilespmem:$0x12000] =	vst v63  }
0x8b: {  	_ = 	snop  }
0x8c: {  	[tilespmem:s30], [sflag:$0x4] =	stream.indirect_vreg.gather [hbm4b:s10+s3], $0x80, v2, vm0, $0xb8;
	[tilespmem:$0x12000] =	vst v63  }
0x8d: {  	_ = 	snop  }
0x8e: {  	[tilespmem:s31], [sflag:$0x4] =	stream.indirect_vreg.gather [hbm4b:s11+s3], $0x80, v2, vm0, $0xb8;
	[tilespmem:$0x12000] =	vst v63  }
0x8f: {  	_ =	swait.ge [sflag:s18], $0x4000  }
0x90: {  	p0 =	seq.s32 s22, $0x1E000;
	[sflag:s18] =	ssyncset.done $0x0  }
0x91: {  	s12 =	simm.s32 @!p0 $0x5;
	s24 =	sadd.s32 $0x1000, s4;
	[sflag:s18] =	ssyncadd.s32 $0xFFFFC000  }
0x92: {  	[hbm4b:s24+s2] =	stream.strided.scatter [tilespmem:s17], [sflag:$0x7], $0x4000, s16, s2, $0x38;
	[tilespmem:$0x12000] =	vst v63  }
0x93: {  	_ =	swait.ge @!p0 [sflag:s12], $0x4000  }
0x94: {  	[sflag:s12] =	ssyncset.done @!p0 $0x0  }
0x95: {  	[sflag:s12] =	ssyncadd.s32 @!p0 $0xFFFFC000  }
0x96: {  	v2 =	vld.msk @!p0 [tilespmem:s21+$0x80], $0xf;
	_ =	sdelay $0x4  }
0x97: {  	v3 =	vshll.u32 @!p0 v2, $0x5  }
0x98: {  	v4 =	vlaneseq.u32 @!p0;
	v2 =	vand.u32 @!p0 $0x7, v2;
	v3 =	vand.u32 @!p0 $0xFFFFFF00, v3  }
0x99: {  	v2 =	vor.u32 @!p0 v2, v3;
	v3 =	vand.u32 @!p0 $0x3, v4;
	v4 =	vshrl.u32 @!p0 v4, $0x2  }
0x9a: {  	v2 =	vperm.xlane @!p0 v2, v3;
	v3 =	vmul.u32 @!p0 $0x8, v4;
	_ =	sdelay $0x1  }
0x9b: {  	v2 =	vadd.s32 @!p0 v3, v2;
	_ =	sdelay $0x3  }
0x9c: {  	vm1 =	vmmov @!p0 $0xffff;
	s24 =	simm.s32 @!p0 $0x2000;
	s12 =	simm.s32 @!p0 $0x0  }
0x9d: {  	[tilespmem:s24], [sflag:$0x1] =	stream.indirect_vreg.gather @!p0 [hbm4b:s1+s12], $0x80, v2, vm1, $0xb8;
	[tilespmem:$0x12000] =	vst v63  }
0x9e: {  	s24 =	simm.s32 @!p0 $0x2800  }
0x9f: {  	[tilespmem:s24], [sflag:$0x1] =	stream.indirect_vreg.gather @!p0 [hbm4b:s5+s12], $0x80, v2, vm1, $0xb8;
	[tilespmem:$0x12000] =	vst v63  }
0xa0: {  	s24 =	simm.s32 @!p0 $0x3000  }
0xa1: {  	[tilespmem:s24], [sflag:$0x1] =	stream.indirect_vreg.gather @!p0 [hbm4b:s6+s12], $0x80, v2, vm1, $0xb8;
	[tilespmem:$0x12000] =	vst v63  }
0xa2: {  	s24 =	simm.s32 @!p0 $0x3800  }
0xa3: {  	[tilespmem:s24], [sflag:$0x1] =	stream.indirect_vreg.gather @!p0 [hbm4b:s7+s12], $0x80, v2, vm1, $0xb8;
	[tilespmem:$0x12000] =	vst v63  }
0xa4: {  	s24 =	simm.s32 @!p0 $0x4000  }
0xa5: {  	[tilespmem:s24], [sflag:$0x1] =	stream.indirect_vreg.gather @!p0 [hbm4b:s8+s12], $0x80, v2, vm1, $0xb8;
	[tilespmem:$0x12000] =	vst v63  }
0xa6: {  	s24 =	simm.s32 @!p0 $0x4800  }
0xa7: {  	[tilespmem:s24], [sflag:$0x1] =	stream.indirect_vreg.gather @!p0 [hbm4b:s9+s12], $0x80, v2, vm1, $0xb8;
	[tilespmem:$0x12000] =	vst v63  }
0xa8: {  	s24 =	simm.s32 @!p0 $0x5000  }
0xa9: {  	[tilespmem:s24], [sflag:$0x1] =	stream.indirect_vreg.gather @!p0 [hbm4b:s10+s12], $0x80, v2, vm1, $0xb8;
	[tilespmem:$0x12000] =	vst v63  }
0xaa: {  	s24 =	simm.s32 @!p0 $0x5800  }
0xab: {  	[tilespmem:s24], [sflag:$0x1] =	stream.indirect_vreg.gather @!p0 [hbm4b:s11+s12], $0x80, v2, vm1, $0xb8;
	[tilespmem:$0x12000] =	vst v63  }
.Ltmp2:
0xac: {  	_ = 	snop;
	(pc) =	sbr.rel @p0 .LBB2_4-.Ltmp2, $4  }
0xad: {  	_ =	swait.ge [sflag:s19], $0x4000  }
0xae: {  	[sflag:s19] =	ssyncset.done $0x0  }
0xaf: {  	s4 =	sadd.s32 $0x1040, s4;
	[sflag:s19] =	ssyncadd.s32 $0xFFFFC000  }
0xb0: {  	[hbm4b:s4+s2] =	stream.strided.scatter [tilespmem:s15], [sflag:$0x8], $0x4000, s16, s2, $0x38;
	[tilespmem:$0x12000] =	vst v63  }
0xb1: {  	_ =	swait.ge [sflag:s20], $0x4000  }
0xb2: {  	[sflag:s20] =	ssyncset.done $0x0  }
0xb3: {  	[sflag:s20] =	ssyncadd.s32 $0xFFFFC000  }
0xb4: {  	v2 =	vld.msk [tilespmem:s21+$0x100], $0xf;
	_ =	sdelay $0x4  }
0xb5: {  	v3 =	vshll.u32 v2, $0x5  }
0xb6: {  	v2 =	vand.u32 $0x7, v2;
	v3 =	vand.u32 $0xFFFFFF00, v3  }
0xb7: {  	v2 =	vor.u32 v2, v3  }
0xb8: {  	v2 =	vperm.xlane v2, v0;
	_ =	sdelay $0x1  }
0xb9: {  	v2 =	vadd.s32 v1, v2;
	_ =	sdelay $0x4  }
0xba: {  	[tilespmem:s23], [sflag:$0x2] =	stream.indirect_vreg.gather [hbm4b:s1+s3], $0x80, v2, vm0, $0xb8;
	[tilespmem:$0x12000] =	vst v63  }
0xbb: {  	s4 =	simm.s32 $0x6800  }
0xbc: {  	[tilespmem:s4], [sflag:$0x2] =	stream.indirect_vreg.gather [hbm4b:s5+s3], $0x80, v2, vm0, $0xb8;
	[tilespmem:$0x12000] =	vst v63  }
0xbd: {  	s12 =	simm.s32 $0x7000  }
0xbe: {  	[tilespmem:s12], [sflag:$0x2] =	stream.indirect_vreg.gather [hbm4b:s6+s3], $0x80, v2, vm0, $0xb8;
	[tilespmem:$0x12000] =	vst v63  }
0xbf: {  	s24 =	simm.s32 $0x7800  }
0xc0: {  	[tilespmem:s24], [sflag:$0x2] =	stream.indirect_vreg.gather [hbm4b:s7+s3], $0x80, v2, vm0, $0xb8;
	[tilespmem:$0x12000] =	vst v63  }
0xc1: {  	s12 =	simm.s32 $0x8000  }
0xc2: {  	[tilespmem:s12], [sflag:$0x2] =	stream.indirect_vreg.gather [hbm4b:s8+s3], $0x80, v2, vm0, $0xb8;
	[tilespmem:$0x12000] =	vst v63  }
0xc3: {  	s24 =	simm.s32 $0x8800  }
0xc4: {  	[tilespmem:s24], [sflag:$0x2] =	stream.indirect_vreg.gather [hbm4b:s9+s3], $0x80, v2, vm0, $0xb8;
	[tilespmem:$0x12000] =	vst v63  }
.Ltmp3:
0xc5: {  	_ = 	snop;
	(pc) =	sbr.rel .LBB2_2-.Ltmp3, $4  }
0xc6: {  	s12 =	simm.s32 $0x9000  }
0xc7: {  	[tilespmem:s12], [sflag:$0x2] =	stream.indirect_vreg.gather [hbm4b:s10+s3], $0x80, v2, vm0, $0xb8;
	[tilespmem:$0x12000] =	vst v63  }
0xc8: {  	s22 =	sadd.s32 $0x2000, s22;
	s21 =	sadd.s32 $0x200, s21;
	s24 =	simm.s32 $0x9800  }
0xc9: {  	[tilespmem:s24], [sflag:$0x2] =	stream.indirect_vreg.gather [hbm4b:s11+s3], $0x80, v2, vm0, $0xb8;
	[tilespmem:$0x12000] =	vst v63  }
.LBB2_5:
0xca: {  	_ =	sfence.sel $0x180000  }
0xcb: {  	[bflag:$0x0] =	sbarrier.arrive $0xFFFF  }
0xcc: {  	_ =	strace $0x90000047  }
0xcd: {  	s0 =	stileid.u32;
	[bflag:$0x2] =	sbarrier.arrive $0xFFFF  }
0xce: {  	p0 =	sne.s32 s0, $0x0;
	s0 =	rddreg [dreg:$0x3]  }
0xcf: {  	s0 =	sadd.s32 @!p0 $0x100000, s0  }
0xd0: {  	[sflag:s0] =	ssyncadd.tile.s32 @!p0 $0x1;
	_ =	shalt  }
.Lfunc_end2:
_tile_overlayer_lowered:
.L_overlay_start_2:
0xd1: {  	(tag) =	ssettag $0x2  }
0xd2: {  	s0 =	rddreg [dreg:$0x0];
	s2 =	stileid.u32  }
0xd3: {  	s1 =	rddreg [dreg:$0x1];
	p0 =	sne.s32 s2, $0x0  }
0xd4: {  	s3 =	rddreg [dreg:$0x2];
	[bflag:$0x3] =	sbarrier.arrive $0xFFFF;
	s2 =	simm.s32 @!p0 $0x1C09  }
0xd5: {  	[timem:s3], [sflag:s2] =	dma.local @!p0 [hbm:s0], s1  }
0xd6: {  	s0 =	simm.s32 @!p0 $0x9  }
0xd7: {  	_ =	swait.ge @!p0 [sflag:s0], s1  }
0xd8: {  	s1 =	ssub.s32 @!p0 $0x0, s1;
	[sflag:s0] =	ssyncset.done @!p0 $0x0  }
0xd9: {  	[sflag:s0] =	ssyncadd.s32 @!p0 s1  }
0xda: {  	[bflag:$0x3] =	sbarrier.arrive $0xFFFF  }
0xdb: {  	_ =	shalt  }

</sc_bundles>
